<compile_context>
chip_gen: v7x
topology: tpu7x:2x2x1
jax: 0.10.2.dev20260603
libtpu: 0.0.44.dev20260713+nightly
codegen_flags: <defaults>
</compile_context>

<pallas_src>
import dataclasses
import functools

import jax
import jax.numpy as jnp
from jax import lax
from jax.experimental import pallas as pl
from jax.experimental.pallas import tpu as pltpu
from jax.experimental.pallas import tpu_sc as plsc

_C = 64



def _argmax_body(p_ref, o_ref):
    o_ref[...] = jnp.argmax(p_ref[...], axis=1).astype(jnp.int32)


def _argmax_wcb(pt, block_w=8):
    W, C, B = pt.shape
    return pl.pallas_call(
        _argmax_body,
        grid=(W // block_w,),
        in_specs=[pl.BlockSpec((block_w, C, B), lambda i: (i, 0, 0))],
        out_specs=pl.BlockSpec((block_w, B), lambda i: (i, 0)),
        out_shape=jax.ShapeDtypeStruct((W, B), jnp.int32),
    )(pt)



_NC, _NS, _L = 2, 16, 16
_NW = _NC * _NS


def _sc_loss_call(pred_bm, true_bm):
    B, W = true_bm.shape
    rows = B // _NW
    groups = rows // _L
    mesh = plsc.VectorSubcoreMesh(core_axis_name="c", subcore_axis_name="s")
    cp_params = pltpu.CompilerParams()
    if "needs_layout_passes" in pltpu.CompilerParams.__dataclass_fields__:
        cp_params = dataclasses.replace(cp_params, needs_layout_passes=False)

    @functools.partial(
        pl.kernel,
        mesh=mesh,
        compiler_params=cp_params,
        out_type=jax.ShapeDtypeStruct((_NW, _L), jnp.float32),
        scratch_types=[
            pltpu.VMEM((rows, W), jnp.int32),
            pltpu.VMEM((rows, W), jnp.int32),
            pltpu.VMEM((rows, _C), jnp.int32),
            pltpu.VMEM((rows, _C), jnp.int32),
            pltpu.VMEM((_L,), jnp.float32),
            pltpu.SemaphoreType.DMA,
        ],
    )
    def body(pred_hbm, true_hbm, out_hbm, pvm, tvm, ptab, ttab, osc, sem):
        wid = lax.axis_index("s") * _NC + lax.axis_index("c")
        base = wid * rows
        cp = pltpu.async_copy(pred_hbm.at[pl.ds(base, rows)], pvm, sem)
        ct = pltpu.async_copy(true_hbm.at[pl.ds(base, rows)], tvm, sem)

        zeros = jnp.zeros((_L,), jnp.int32)

        @pl.loop(0, rows)
        def _(r):
            for c0 in range(0, _C, _L):
                ptab[r, pl.ds(c0, _L)] = zeros
                ttab[r, pl.ds(c0, _L)] = zeros

        cp.wait()
        ct.wait()

        lanes = lax.iota(jnp.int32, _L)
        rowvecs = [lanes + g * _L for g in range(groups)]
        ones = jnp.ones((_L,), jnp.int32)

        def step(i, st):
            col = jnp.full((_L,), 0, jnp.int32) + i
            new = []
            for t, (vm, tab) in enumerate(((pvm, ptab), (tvm, ttab))):
                per_t = []
                for g in range(groups):
                    prev, run = st[t][g]
                    c = plsc.load_gather(vm, [rowvecs[g], col])
                    run = jnp.where(c == prev, run + ones, ones)
                    cur = plsc.load_gather(tab, [rowvecs[g], c])
                    plsc.store_scatter(tab, [rowvecs[g], c],
                                       jnp.maximum(cur, run))
                    per_t.append((c, run))
                new.append(tuple(per_t))
            return tuple(new)

        neg = jnp.full((_L,), -1, jnp.int32)
        init = tuple(tuple((neg, zeros) for _ in range(groups))
                     for _ in range(2))
        lax.fori_loop(0, W, step, init)

        def loss_r(r, acc):
            for c0 in range(0, _C, _L):
                d = (ptab[r, pl.ds(c0, _L)]
                     - ttab[r, pl.ds(c0, _L)]).astype(jnp.float32)
                acc = acc + d * d
            return acc

        acc = lax.fori_loop(0, rows, loss_r, jnp.zeros((_L,), jnp.float32))
        osc[...] = acc
        pltpu.sync_copy(osc, out_hbm.at[wid])

    return body(pred_bm, true_bm)


def kernel(predictions, targets):
    B, W, C = predictions.shape
    pt = jnp.transpose(predictions, (1, 2, 0))
    pred_wm = _argmax_wcb(pt)
    partials = _sc_loss_call(pred_wm.T, targets)
    return jnp.sum(partials) / (B * C)

# --- scband reference (transcript-rebuilt; emitter-appended) ---
"""Pipeline reference for scband-frame-continuity-loss-21320217657924 (READ-ONLY COPY).

The authoritative reference and input builder live on the scoring server;
editing this copy changes nothing except your own understanding.
"""

import jax, jax.numpy as jnp
import numpy as np

NUM_CLASSES = 64

def _max_run(x):
    # x: int [N, W] binary mask; returns max consecutive-ones run length per row.
    # s[i] = number of ones up to i; m[i] = max of s at zero-positions up to i (baseline 0).
    # run length ending at i = s[i] - m[i]; max over i = longest run.
    s = jnp.cumsum(x, axis=1)
    zero_s = jnp.where(x == 0, s, 0)
    m = jax.lax.cummax(zero_s, axis=1)
    return jnp.max(s - m, axis=1)


def setup_inputs(seed: int = 0) -> dict:
    key = jax.random.key(seed)
    k1, k2 = jax.random.split(key)
    predictions = jax.random.normal(k1, (1024, 200, NUM_CLASSES), dtype=jnp.float32)
    targets = jax.random.randint(k2, (1024, 200), 0, NUM_CLASSES, dtype=jnp.int32)
    return {"predictions": predictions, "targets": targets}


def reference(predictions, targets):
    B, W, C = predictions.shape
    assert C == NUM_CLASSES
    pred_classes = jnp.argmax(predictions, axis=-1)  # [B, W]
    classes = jnp.arange(C).reshape(1, -1, 1)  # [1, C, 1]
    pred_masks = (pred_classes[:, None, :] == classes).astype(jnp.int32).reshape(-1, W)
    true_masks = (targets[:, None, :] == classes).astype(jnp.int32).reshape(-1, W)
    pred_continuity = _max_run(pred_masks).reshape(B, C).astype(jnp.float32)
    true_continuity = _max_run(true_masks).reshape(B, C).astype(jnp.float32)
    return jnp.mean((pred_continuity - true_continuity) ** 2)

if __name__ == "__main__":
    import jax
    _d = setup_inputs()
    print(jax.jit(kernel)(*tuple(_d.values())))

</pallas_src>

<mosaic_0001>
#map = affine_map<(d0, d1) -> (0, 0)>
module attributes {stable_mosaic.version = 14 : i64} {
  func.func @body(%arg0: i32, %arg1: i32, %arg2: memref<1024x200xi32, #tpu.memory_space<hbm>>, %arg3: memref<1024x200xi32, #tpu.memory_space<hbm>>, %arg4: memref<32x16xf32, #tpu.memory_space<hbm>>, %arg5: memref<32x200xi32, #tpu.memory_space<vmem>>, %arg6: memref<32x200xi32, #tpu.memory_space<vmem>>, %arg7: memref<32x64xi32, #tpu.memory_space<vmem>>, %arg8: memref<32x64xi32, #tpu.memory_space<vmem>>, %arg9: memref<16xf32, #tpu.memory_space<vmem>>, %arg10: memref<!tpu.dma_semaphore, #tpu.memory_space<semaphore_mem>>) attributes {dimension_semantics = [#tpu.dimension_semantics<core_parallel>, #tpu.dimension_semantics<subcore_parallel>], iteration_bounds = array<i64: 2, 16>, scalar_prefetch = 0 : i64, scratch_operands = 6 : i64, tpu.core_type = #tpu.core_type<sc_vector_subcore>, window_params = [{transform_indices = #map}, {transform_indices = #map}, {transform_indices = #map}]} {
    %mul3A = arith.constant 2 : i32
    %mul3A_0 = arith.muli %arg1, %mul3A : i32
    %add3A = arith.addi %mul3A_0, %arg0 : i32
    %mul3A_1 = arith.constant 32 : i32
    %mul3A_2 = arith.muli %add3A, %mul3A_1 : i32
    %dma_start3A = arith.constant 0 : i32
    %dma_start3A_3 = tpu.memref_slice %arg2[%mul3A_2, %dma_start3A] : memref<1024x200xi32, #tpu.memory_space<hbm>> -> memref<32x200xi32, #tpu.memory_space<hbm>>
    %dma_start3A_4 = arith.constant 0 : i32
    %dma_start3A_5 = tpu.memref_slice %arg2[%mul3A_2, %dma_start3A_4] : memref<1024x200xi32, #tpu.memory_space<hbm>> -> memref<32x200xi32, #tpu.memory_space<hbm>>
    tpu.enqueue_dma source(%dma_start3A_5 : memref<32x200xi32, #tpu.memory_space<hbm>>) target(%arg5 : memref<32x200xi32, #tpu.memory_space<vmem>>) target_semaphore(%arg10 : memref<!tpu.dma_semaphore, #tpu.memory_space<semaphore_mem>>)
    %dma_start3A_6 = arith.constant 0 : i32
    %dma_start3A_7 = tpu.memref_slice %arg3[%mul3A_2, %dma_start3A_6] : memref<1024x200xi32, #tpu.memory_space<hbm>> -> memref<32x200xi32, #tpu.memory_space<hbm>>
    %dma_start3A_8 = arith.constant 0 : i32
    %dma_start3A_9 = tpu.memref_slice %arg3[%mul3A_2, %dma_start3A_8] : memref<1024x200xi32, #tpu.memory_space<hbm>> -> memref<32x200xi32, #tpu.memory_space<hbm>>
    tpu.enqueue_dma source(%dma_start3A_9 : memref<32x200xi32, #tpu.memory_space<hbm>>) target(%arg6 : memref<32x200xi32, #tpu.memory_space<vmem>>) target_semaphore(%arg10 : memref<!tpu.dma_semaphore, #tpu.memory_space<semaphore_mem>>)
    %broadcast_in_dim3A = arith.constant 0 : i32
    %broadcast_in_dim3A_10 = vector.broadcast %broadcast_in_dim3A : i32 to vector<16xi32>
    %scan3A = arith.constant 0 : i32
    %scan3A_11 = arith.constant 32 : i32
    %scan3A_12 = arith.addi %scan3A, %scan3A_11 : i32
    %scan3A_13 = arith.constant 1 : i32
    scf.for %scan3A_47 = %scan3A to %scan3A_12 step %scan3A_13  : i32 {
      %mul3A_48 = arith.constant 1 : i32
      %mul3A_49 = arith.muli %scan3A_47, %mul3A_48 : i32
      %add3A_50 = arith.constant 0 : i32
      %add3A_51 = arith.addi %add3A_50, %mul3A_49 : i32
      %swap3A_52 = arith.index_cast %add3A_51 : i32 to index
      %swap3A_53 = arith.constant 0 : index
      %swap3A_54 = tpu.vector_load %arg7[%swap3A_52, %swap3A_53] {strides = array<i32>} : memref<32x64xi32, #tpu.memory_space<vmem>>, vector<16xi32>,
      tpu.vector_store %arg7[%swap3A_52, %swap3A_53], %broadcast_in_dim3A_10 {strides = array<i32>} : memref<32x64xi32, #tpu.memory_space<vmem>>, vector<16xi32>,
      %swap3A_55 = arith.index_cast %add3A_51 : i32 to index
      %swap3A_56 = arith.constant 0 : index
      %swap3A_57 = tpu.vector_load %arg8[%swap3A_55, %swap3A_56] {strides = array<i32>} : memref<32x64xi32, #tpu.memory_space<vmem>>, vector<16xi32>,
      tpu.vector_store %arg8[%swap3A_55, %swap3A_56], %broadcast_in_dim3A_10 {strides = array<i32>} : memref<32x64xi32, #tpu.memory_space<vmem>>, vector<16xi32>,
      %swap3A_58 = arith.index_cast %add3A_51 : i32 to index
      %swap3A_59 = arith.constant 16 : index
      %swap3A_60 = tpu.vector_load %arg7[%swap3A_58, %swap3A_59] {strides = array<i32>} : memref<32x64xi32, #tpu.memory_space<vmem>>, vector<16xi32>,
      tpu.vector_store %arg7[%swap3A_58, %swap3A_59], %broadcast_in_dim3A_10 {strides = array<i32>} : memref<32x64xi32, #tpu.memory_space<vmem>>, vector<16xi32>,
      %swap3A_61 = arith.index_cast %add3A_51 : i32 to index
      %swap3A_62 = arith.constant 16 : index
      %swap3A_63 = tpu.vector_load %arg8[%swap3A_61, %swap3A_62] {strides = array<i32>} : memref<32x64xi32, #tpu.memory_space<vmem>>, vector<16xi32>,
      tpu.vector_store %arg8[%swap3A_61, %swap3A_62], %broadcast_in_dim3A_10 {strides = array<i32>} : memref<32x64xi32, #tpu.memory_space<vmem>>, vector<16xi32>,
      %swap3A_64 = arith.index_cast %add3A_51 : i32 to index
      %swap3A_65 = arith.constant 32 : index
      %swap3A_66 = tpu.vector_load %arg7[%swap3A_64, %swap3A_65] {strides = array<i32>} : memref<32x64xi32, #tpu.memory_space<vmem>>, vector<16xi32>,
      tpu.vector_store %arg7[%swap3A_64, %swap3A_65], %broadcast_in_dim3A_10 {strides = array<i32>} : memref<32x64xi32, #tpu.memory_space<vmem>>, vector<16xi32>,
      %swap3A_67 = arith.index_cast %add3A_51 : i32 to index
      %swap3A_68 = arith.constant 32 : index
      %swap3A_69 = tpu.vector_load %arg8[%swap3A_67, %swap3A_68] {strides = array<i32>} : memref<32x64xi32, #tpu.memory_space<vmem>>, vector<16xi32>,
      tpu.vector_store %arg8[%swap3A_67, %swap3A_68], %broadcast_in_dim3A_10 {strides = array<i32>} : memref<32x64xi32, #tpu.memory_space<vmem>>, vector<16xi32>,
      %swap3A_70 = arith.index_cast %add3A_51 : i32 to index
      %swap3A_71 = arith.constant 48 : index
      %swap3A_72 = tpu.vector_load %arg7[%swap3A_70, %swap3A_71] {strides = array<i32>} : memref<32x64xi32, #tpu.memory_space<vmem>>, vector<16xi32>,
      tpu.vector_store %arg7[%swap3A_70, %swap3A_71], %broadcast_in_dim3A_10 {strides = array<i32>} : memref<32x64xi32, #tpu.memory_space<vmem>>, vector<16xi32>,
      %swap3A_73 = arith.index_cast %add3A_51 : i32 to index
      %swap3A_74 = arith.constant 48 : index
      %swap3A_75 = tpu.vector_load %arg8[%swap3A_73, %swap3A_74] {strides = array<i32>} : memref<32x64xi32, #tpu.memory_space<vmem>>, vector<16xi32>,
      tpu.vector_store %arg8[%swap3A_73, %swap3A_74], %broadcast_in_dim3A_10 {strides = array<i32>} : memref<32x64xi32, #tpu.memory_space<vmem>>, vector<16xi32>,
    }
    %scan3A_14 = arith.constant 32 : i32
    %dma_wait3A = arith.constant 0 : i32
    %dma_wait3A_15 = tpu.memref_slice %arg2[%mul3A_2, %dma_wait3A] : memref<1024x200xi32, #tpu.memory_space<hbm>> -> memref<32x200xi32, #tpu.memory_space<hbm>>
    %dma_wait3A_16 = arith.constant 0 : i32
    %dma_wait3A_17 = tpu.memref_slice %arg2[%mul3A_2, %dma_wait3A_16] : memref<1024x200xi32, #tpu.memory_space<hbm>> -> memref<32x200xi32, #tpu.memory_space<hbm>>
    tpu.wait_dma2 semaphore(%arg10 : memref<!tpu.dma_semaphore, #tpu.memory_space<semaphore_mem>>) src(%dma_wait3A_17 : memref<32x200xi32, #tpu.memory_space<hbm>>) dst(%arg5 : memref<32x200xi32, #tpu.memory_space<vmem>>)
    %dma_wait3A_18 = arith.constant 0 : i32
    %dma_wait3A_19 = tpu.memref_slice %arg3[%mul3A_2, %dma_wait3A_18] : memref<1024x200xi32, #tpu.memory_space<hbm>> -> memref<32x200xi32, #tpu.memory_space<hbm>>
    %dma_wait3A_20 = arith.constant 0 : i32
    %dma_wait3A_21 = tpu.memref_slice %arg3[%mul3A_2, %dma_wait3A_20] : memref<1024x200xi32, #tpu.memory_space<hbm>> -> memref<32x200xi32, #tpu.memory_space<hbm>>
    tpu.wait_dma2 semaphore(%arg10 : memref<!tpu.dma_semaphore, #tpu.memory_space<semaphore_mem>>) src(%dma_wait3A_21 : memref<32x200xi32, #tpu.memory_space<hbm>>) dst(%arg6 : memref<32x200xi32, #tpu.memory_space<vmem>>)
    %iota3A = tpu.iota {dimensions = array<i32: 0>} : vector<16xi32>
    %add3A_22 = arith.constant 0 : i32
    %add3A_23 = vector.broadcast %add3A_22 : i32 to vector<16xi32>
    %add3A_24 = arith.addi %iota3A, %add3A_23 : vector<16xi32>
    %add3A_25 = arith.constant 16 : i32
    %add3A_26 = vector.broadcast %add3A_25 : i32 to vector<16xi32>
    %add3A_27 = arith.addi %iota3A, %add3A_26 : vector<16xi32>
    %broadcast_in_dim3A_28 = arith.constant 1 : i32
    %broadcast_in_dim3A_29 = vector.broadcast %broadcast_in_dim3A_28 : i32 to vector<16xi32>
    %broadcast_in_dim3A_30 = arith.constant -1 : i32
    %broadcast_in_dim3A_31 = vector.broadcast %broadcast_in_dim3A_30 : i32 to vector<16xi32>
    %scan3A_32 = arith.constant 0 : i32
    %scan3A_33 = arith.constant 200 : i32
    %scan3A_34 = arith.addi %scan3A_32, %scan3A_33 : i32
    %scan3A_35 = arith.constant 1 : i32
    %scan3A_36:8 = scf.for %scan3A_47 = %scan3A_32 to %scan3A_34 step %scan3A_35 iter_args(%scan3A_48 = %broadcast_in_dim3A_31, %scan3A_49 = %broadcast_in_dim3A_10, %scan3A_50 = %broadcast_in_dim3A_31, %scan3A_51 = %broadcast_in_dim3A_10, %scan3A_52 = %broadcast_in_dim3A_31, %scan3A_53 = %broadcast_in_dim3A_10, %scan3A_54 = %broadcast_in_dim3A_31, %scan3A_55 = %broadcast_in_dim3A_10) -> (vector<16xi32>, vector<16xi32>, vector<16xi32>, vector<16xi32>, vector<16xi32>, vector<16xi32>, vector<16xi32>, vector<16xi32>)  : i32 {
      %broadcast_in_dim3A_56 = arith.constant 0 : i32
      %broadcast_in_dim3A_57 = vector.broadcast %broadcast_in_dim3A_56 : i32 to vector<16xi32>
      %add3A_58 = vector.broadcast %scan3A_47 : i32 to vector<16xi32>
      %add3A_59 = arith.addi %broadcast_in_dim3A_57, %add3A_58 : vector<16xi32>
      %gather3A = tpu.vector_load_idx %arg5[%add3A_24, %add3A_59] : memref<32x200xi32, #tpu.memory_space<vmem>>[vector<16xi32>, vector<16xi32>], vector<16xi32>,
      %eq3A = arith.cmpi eq, %gather3A, %scan3A_48 : vector<16xi32>
      %add3A_60 = arith.addi %scan3A_49, %broadcast_in_dim3A_29 : vector<16xi32>
      %select_n3A = arith.select %eq3A, %add3A_60, %broadcast_in_dim3A_29 : vector<16xi1>, vector<16xi32>
      %gather3A_61 = tpu.vector_load_idx %arg7[%add3A_24, %gather3A] : memref<32x64xi32, #tpu.memory_space<vmem>>[vector<16xi32>, vector<16xi32>], vector<16xi32>,
      %max3A = arith.maxsi %gather3A_61, %select_n3A : vector<16xi32>
      tpu.vector_store_idx %arg7[%add3A_24, %gather3A], %max3A : memref<32x64xi32, #tpu.memory_space<vmem>>[vector<16xi32>, vector<16xi32>], vector<16xi32>,
      %gather3A_62 = tpu.vector_load_idx %arg5[%add3A_27, %add3A_59] : memref<32x200xi32, #tpu.memory_space<vmem>>[vector<16xi32>, vector<16xi32>], vector<16xi32>,
      %eq3A_63 = arith.cmpi eq, %gather3A_62, %scan3A_50 : vector<16xi32>
      %add3A_64 = arith.addi %scan3A_51, %broadcast_in_dim3A_29 : vector<16xi32>
      %select_n3A_65 = arith.select %eq3A_63, %add3A_64, %broadcast_in_dim3A_29 : vector<16xi1>, vector<16xi32>
      %gather3A_66 = tpu.vector_load_idx %arg7[%add3A_27, %gather3A_62] : memref<32x64xi32, #tpu.memory_space<vmem>>[vector<16xi32>, vector<16xi32>], vector<16xi32>,
      %max3A_67 = arith.maxsi %gather3A_66, %select_n3A_65 : vector<16xi32>
      tpu.vector_store_idx %arg7[%add3A_27, %gather3A_62], %max3A_67 : memref<32x64xi32, #tpu.memory_space<vmem>>[vector<16xi32>, vector<16xi32>], vector<16xi32>,
      %gather3A_68 = tpu.vector_load_idx %arg6[%add3A_24, %add3A_59] : memref<32x200xi32, #tpu.memory_space<vmem>>[vector<16xi32>, vector<16xi32>], vector<16xi32>,
      %eq3A_69 = arith.cmpi eq, %gather3A_68, %scan3A_52 : vector<16xi32>
      %add3A_70 = arith.addi %scan3A_53, %broadcast_in_dim3A_29 : vector<16xi32>
      %select_n3A_71 = arith.select %eq3A_69, %add3A_70, %broadcast_in_dim3A_29 : vector<16xi1>, vector<16xi32>
      %gather3A_72 = tpu.vector_load_idx %arg8[%add3A_24, %gather3A_68] : memref<32x64xi32, #tpu.memory_space<vmem>>[vector<16xi32>, vector<16xi32>], vector<16xi32>,
      %max3A_73 = arith.maxsi %gather3A_72, %select_n3A_71 : vector<16xi32>
      tpu.vector_store_idx %arg8[%add3A_24, %gather3A_68], %max3A_73 : memref<32x64xi32, #tpu.memory_space<vmem>>[vector<16xi32>, vector<16xi32>], vector<16xi32>,
      %gather3A_74 = tpu.vector_load_idx %arg6[%add3A_27, %add3A_59] : memref<32x200xi32, #tpu.memory_space<vmem>>[vector<16xi32>, vector<16xi32>], vector<16xi32>,
      %eq3A_75 = arith.cmpi eq, %gather3A_74, %scan3A_54 : vector<16xi32>
      %add3A_76 = arith.addi %scan3A_55, %broadcast_in_dim3A_29 : vector<16xi32>
      %select_n3A_77 = arith.select %eq3A_75, %add3A_76, %broadcast_in_dim3A_29 : vector<16xi1>, vector<16xi32>
      %gather3A_78 = tpu.vector_load_idx %arg8[%add3A_27, %gather3A_74] : memref<32x64xi32, #tpu.memory_space<vmem>>[vector<16xi32>, vector<16xi32>], vector<16xi32>,
      %max3A_79 = arith.maxsi %gather3A_78, %select_n3A_77 : vector<16xi32>
      tpu.vector_store_idx %arg8[%add3A_27, %gather3A_74], %max3A_79 : memref<32x64xi32, #tpu.memory_space<vmem>>[vector<16xi32>, vector<16xi32>], vector<16xi32>,
      scf.yield %gather3A, %select_n3A, %gather3A_62, %select_n3A_65, %gather3A_68, %select_n3A_71, %gather3A_74, %select_n3A_77 : vector<16xi32>, vector<16xi32>, vector<16xi32>, vector<16xi32>, vector<16xi32>, vector<16xi32>, vector<16xi32>, vector<16xi32>
    }
    %scan3A_37 = arith.constant 200 : i32
    %broadcast_in_dim3A_38 = arith.constant 0.000000e+00 : f32
    %broadcast_in_dim3A_39 = vector.broadcast %broadcast_in_dim3A_38 : f32 to vector<16xf32>
    %scan3A_40 = arith.constant 0 : i32
    %scan3A_41 = arith.constant 32 : i32
    %scan3A_42 = arith.addi %scan3A_40, %scan3A_41 : i32
    %scan3A_43 = arith.constant 1 : i32
    %scan3A_44 = scf.for %scan3A_47 = %scan3A_40 to %scan3A_42 step %scan3A_43 iter_args(%scan3A_48 = %broadcast_in_dim3A_39) -> (vector<16xf32>)  : i32 {
      %get3A = arith.index_cast %scan3A_47 : i32 to index
      %get3A_49 = arith.constant 0 : index
      %get3A_50 = tpu.vector_load %arg7[%get3A, %get3A_49] {strides = array<i32>} : memref<32x64xi32, #tpu.memory_space<vmem>>, vector<16xi32>,
      %get3A_51 = arith.index_cast %scan3A_47 : i32 to index
      %get3A_52 = arith.constant 0 : index
      %get3A_53 = tpu.vector_load %arg8[%get3A_51, %get3A_52] {strides = array<i32>} : memref<32x64xi32, #tpu.memory_space<vmem>>, vector<16xi32>,
      %sub3A = arith.subi %get3A_50, %get3A_53 : vector<16xi32>
      %convert_element_type3A = arith.sitofp %sub3A : vector<16xi32> to vector<16xf32>
      %mul3A_54 = arith.mulf %convert_element_type3A, %convert_element_type3A : vector<16xf32>
      %add3A_55 = arith.addf %scan3A_48, %mul3A_54 : vector<16xf32>
      %get3A_56 = arith.index_cast %scan3A_47 : i32 to index
      %get3A_57 = arith.constant 16 : index
      %get3A_58 = tpu.vector_load %arg7[%get3A_56, %get3A_57] {strides = array<i32>} : memref<32x64xi32, #tpu.memory_space<vmem>>, vector<16xi32>,
      %get3A_59 = arith.index_cast %scan3A_47 : i32 to index
      %get3A_60 = arith.constant 16 : index
      %get3A_61 = tpu.vector_load %arg8[%get3A_59, %get3A_60] {strides = array<i32>} : memref<32x64xi32, #tpu.memory_space<vmem>>, vector<16xi32>,
      %sub3A_62 = arith.subi %get3A_58, %get3A_61 : vector<16xi32>
      %convert_element_type3A_63 = arith.sitofp %sub3A_62 : vector<16xi32> to vector<16xf32>
      %mul3A_64 = arith.mulf %convert_element_type3A_63, %convert_element_type3A_63 : vector<16xf32>
      %add3A_65 = arith.addf %add3A_55, %mul3A_64 : vector<16xf32>
      %get3A_66 = arith.index_cast %scan3A_47 : i32 to index
      %get3A_67 = arith.constant 32 : index
      %get3A_68 = tpu.vector_load %arg7[%get3A_66, %get3A_67] {strides = array<i32>} : memref<32x64xi32, #tpu.memory_space<vmem>>, vector<16xi32>,
      %get3A_69 = arith.index_cast %scan3A_47 : i32 to index
      %get3A_70 = arith.constant 32 : index
      %get3A_71 = tpu.vector_load %arg8[%get3A_69, %get3A_70] {strides = array<i32>} : memref<32x64xi32, #tpu.memory_space<vmem>>, vector<16xi32>,
      %sub3A_72 = arith.subi %get3A_68, %get3A_71 : vector<16xi32>
      %convert_element_type3A_73 = arith.sitofp %sub3A_72 : vector<16xi32> to vector<16xf32>
      %mul3A_74 = arith.mulf %convert_element_type3A_73, %convert_element_type3A_73 : vector<16xf32>
      %add3A_75 = arith.addf %add3A_65, %mul3A_74 : vector<16xf32>
      %get3A_76 = arith.index_cast %scan3A_47 : i32 to index
      %get3A_77 = arith.constant 48 : index
      %get3A_78 = tpu.vector_load %arg7[%get3A_76, %get3A_77] {strides = array<i32>} : memref<32x64xi32, #tpu.memory_space<vmem>>, vector<16xi32>,
      %get3A_79 = arith.index_cast %scan3A_47 : i32 to index
      %get3A_80 = arith.constant 48 : index
      %get3A_81 = tpu.vector_load %arg8[%get3A_79, %get3A_80] {strides = array<i32>} : memref<32x64xi32, #tpu.memory_space<vmem>>, vector<16xi32>,
      %sub3A_82 = arith.subi %get3A_78, %get3A_81 : vector<16xi32>
      %convert_element_type3A_83 = arith.sitofp %sub3A_82 : vector<16xi32> to vector<16xf32>
      %mul3A_84 = arith.mulf %convert_element_type3A_83, %convert_element_type3A_83 : vector<16xf32>
      %add3A_85 = arith.addf %add3A_75, %mul3A_84 : vector<16xf32>
      scf.yield %add3A_85 : vector<16xf32>
    }
    %scan3A_45 = arith.constant 32 : i32
    %swap3A = arith.constant 0 : index
    %swap3A_46 = tpu.vector_load %arg9[%swap3A] {strides = array<i32>} : memref<16xf32, #tpu.memory_space<vmem>>, vector<16xf32>,
    tpu.vector_store %arg9[%swap3A], %scan3A_44 {strides = array<i32>} : memref<16xf32, #tpu.memory_space<vmem>>, vector<16xf32>,
    "tpu.region"() ({
      %run_scoped3A = tpu.sem_alloc : memref<!tpu.dma_semaphore, #tpu.memory_space<semaphore_mem>>
      %dma_start3A_47 = arith.constant 0 : i32
      %dma_start3A_48 = tpu.memref_slice %arg4[%add3A, %dma_start3A_47] : memref<32x16xf32, #tpu.memory_space<hbm>> -> memref<1x16xf32, #tpu.memory_space<hbm>>
      %dma_start3A_49 = tpu.memref_squeeze %dma_start3A_48 : memref<1x16xf32, #tpu.memory_space<hbm>> -> memref<16xf32, #tpu.memory_space<hbm>>
      %dma_start3A_50 = arith.constant 0 : i32
      %dma_start3A_51 = tpu.memref_slice %arg4[%add3A, %dma_start3A_50] : memref<32x16xf32, #tpu.memory_space<hbm>> -> memref<1x16xf32, #tpu.memory_space<hbm>>
      %dma_start3A_52 = tpu.memref_squeeze %dma_start3A_51 : memref<1x16xf32, #tpu.memory_space<hbm>> -> memref<16xf32, #tpu.memory_space<hbm>>
      tpu.enqueue_dma source(%arg9 : memref<16xf32, #tpu.memory_space<vmem>>) target(%dma_start3A_52 : memref<16xf32, #tpu.memory_space<hbm>>) target_semaphore(%run_scoped3A : memref<!tpu.dma_semaphore, #tpu.memory_space<semaphore_mem>>)
      %dma_wait3A_53 = arith.constant 0 : i32
      %dma_wait3A_54 = tpu.memref_slice %arg4[%add3A, %dma_wait3A_53] : memref<32x16xf32, #tpu.memory_space<hbm>> -> memref<1x16xf32, #tpu.memory_space<hbm>>
      %dma_wait3A_55 = tpu.memref_squeeze %dma_wait3A_54 : memref<1x16xf32, #tpu.memory_space<hbm>> -> memref<16xf32, #tpu.memory_space<hbm>>
      %dma_wait3A_56 = arith.constant 0 : i32
      %dma_wait3A_57 = tpu.memref_slice %arg4[%add3A, %dma_wait3A_56] : memref<32x16xf32, #tpu.memory_space<hbm>> -> memref<1x16xf32, #tpu.memory_space<hbm>>
      %dma_wait3A_58 = tpu.memref_squeeze %dma_wait3A_57 : memref<1x16xf32, #tpu.memory_space<hbm>> -> memref<16xf32, #tpu.memory_space<hbm>>
      tpu.wait_dma2 semaphore(%run_scoped3A : memref<!tpu.dma_semaphore, #tpu.memory_space<semaphore_mem>>) src(%arg9 : memref<16xf32, #tpu.memory_space<vmem>>) dst(%dma_wait3A_58 : memref<16xf32, #tpu.memory_space<hbm>>)
      tpu.yield
    }) : () -> ()
    return
  }
}

module attributes {stable_mosaic.version = 14 : i64} {
  func.func @_argmax_body(%arg0: i32, %arg1: memref<8x64x1024xf32, #tpu.memory_space<vmem>>, %arg2: memref<8x1024xi32, #tpu.memory_space<vmem>>) attributes {dimension_semantics = [#tpu.dimension_semantics<arbitrary>], iteration_bounds = array<i64: 25>, scalar_prefetch = 0 : i64, scratch_operands = 0 : i64, tpu.core_type = #tpu.core_type<tc>, window_params = [{transform_indices = @transform_0, window_bounds = array<i64: 8, 64, 1024>}, {transform_indices = @transform_1, window_bounds = array<i64: 8, 1024>}]} {
    %get3A = arith.constant 0 : index
    %get3A_0 = arith.constant 0 : index
    %get3A_1 = arith.constant 0 : index
    %get3A_2 = vector.load %arg1[%get3A, %get3A_0, %get3A_1] : memref<8x64x1024xf32, #tpu.memory_space<vmem>>, vector<8x64x1024xf32>
    %argmax3A = tpu.reduce_index %get3A_2 {axis = 1 : i32, kind = #tpu.reduction_kind<arg_max>} : vector<8x64x1024xf32> -> vector<8x1024xi32>
    %swap3A = arith.constant 0 : index
    %swap3A_3 = arith.constant 0 : index
    %swap3A_4 = vector.load %arg2[%swap3A, %swap3A_3] : memref<8x1024xi32, #tpu.memory_space<vmem>>, vector<8x1024xi32>
    tpu.vector_store %arg2[%swap3A, %swap3A_3], %argmax3A {strides = array<i32>} : memref<8x1024xi32, #tpu.memory_space<vmem>>, vector<8x1024xi32>,
    return
  }
  func.func @transform_0(%arg0: i32) -> (i32, i32, i32) {
    %c0_i32 = arith.constant 0 : i32
    %c0_i32_0 = arith.constant 0 : i32
    %c0_i32_1 = arith.constant 0 : i32
    return %arg0, %c0_i32, %c0_i32_0 : i32, i32, i32
  }
  func.func @transform_1(%arg0: i32) -> (i32, i32) {
    %c0_i32 = arith.constant 0 : i32
    %c0_i32_0 = arith.constant 0 : i32
    return %arg0, %c0_i32 : i32, i32
  }
}

</mosaic_0001>

<sc_bundles>
// kernel: kernel.4.cloned.1.call-start
scs
__scs_entry_jumppad:
0x0: {  	(pc) =	sbr.rel $0x88, $3  }
0x1: {  	(tag) =	ssettag $0x0;
	lr =	simm.s32 $0x1  }
0x2: {  	[smem:$0x3F9F] =	sst lr;
	_ =	strace $0xD0000000  }
0x3: {  	_ = 	snop  }
0x4: {  	_ = 	snop  }
0x5: {  	_ = 	snop  }
0x6: {  	_ = 	snop  }
0x7: {  	_ = 	snop  }
__scs_overlays_trampoline_lowered:
0x8: {  	[smem:$0x3FAE] =	sst s0  }
0x9: {  	[smem:$0x3FAF] =	sst s1  }
0xa: {  	[smem:$0x3FB0] =	sst s2  }
0xb: {  	[smem:$0x3FB1] =	sst s3  }
0xc: {  	[smem:$0x3FB2] =	sst s4  }
0xd: {  	[smem:$0x3FB3] =	sst s5  }
0xe: {  	[smem:$0x3FB4] =	sst s6  }
0xf: {  	[smem:$0x3FB5] =	sst s7  }
0x10: {  	[smem:$0x3FB6] =	sst s8  }
0x11: {  	[smem:$0x3FB7] =	sst s9;
	s0 =	simm.s32 @!p0 $0x0  }
0x12: {  	s1 =	sld [smem:$0x3F9D];
	s0 =	simm.s32 @p0 $0x1  }
0x13: {  	[smem:$0x3FB8] =	sst s0;
	s0 =	simm.s32 @!p1 $0x0  }
0x14: {  	s2 =	sld [smem:$0x3F9C];
	s0 =	simm.s32 @p1 $0x1  }
0x15: {  	[smem:$0x3FB9] =	sst s0;
	s0 =	simm.s32 @!p2 $0x0  }
0x16: {  	s3 =	sld [smem:$0x3FDB];
	s0 =	simm.s32 @p2 $0x1  }
0x17: {  	s4 =	simm.s32 $0x1BF5;
	[smem:$0x3FBB] =	sst s0  }
0x18: {  	s0 =	sld [smem:$0x3F9E];
	_ =	swait.ge [sflag:s4], $0x0  }
0x19: {  	s7 =	sld [smem:$0x3F9F]  }
0x1a: {  	s8 =	sadd.s32 $0xFFFFE003, lr  }
0x1b: {  	s9 =	sadd.s32 $0xFFFFFEF7, lr;
	s5 =	simm.s32 $0xFFFFFFFF;
	p2 =	slt.u32 s8, $0xFFFFF086  }
0x1c: {  	p1 =	slt.u32 s9, $0xF7A;
	s5 =	simm.s32 @!p2 $0x0  }
0x1d: {  	s5 =	simm.s32 @p1 $0x1;
	p0 =	seq.s32 s7, s2  }
0x1e: {  	s7 =	smul.u32 @!p0 $0xF7A, s2;
	p2 =	seq.s32 @!p0 s5, $0x0  }
0x1f: {  	s9 =	smul.u32 $0xF7A, s1;
	s8 =	simm.s32 @!p0 $0x1BF5;
	p2 =	por !p2, p0  }
0x20: {  	[sflag:s8] =	ssyncset.s32 @!p0 $0xFFFFF086;
	s6 =	sadd.s32 @!p0 s3, s7;
	s7 =	simm.s32 @!p0 $0x108  }
0x21: {  	s3 =	sadd.s32 s3, s9;
	s6 =	sadd.s32 @!p0 $0x88, s6;
	s7 =	simm.s32 @p2 $0x1082  }
0x22: {  	[simem:s7], [sflag:s8] =	dma.local @!p0 [hbm:s6], $0xF7A  }
0x23: {  	s9 =	sor.u32 $0xD0000000, s2;
	s6 =	simm.s32 $0x108;
	_ =	swait.ge @!p0 [sflag:s8], $0x0  }
0x24: {  	s3 =	sadd.s32 $0x88, s3;
	s6 =	simm.s32 @!p1 $0x1082;
	[sflag:s4] =	ssyncset.s32 $0xFFFFF086  }
0x25: {  	[simem:s6], [sflag:s4] =	dma.local [hbm:s3], $0xF7A  }
0x26: {  	[smem:$0x3F9F] =	sst s1;
	(tag) =	ssettag s2;
	_ =	strace s9  }
0x27: {  	s1 =	sld [smem:$0x3FAF]  }
0x28: {  	s2 =	sld [smem:$0x3FB0]  }
0x29: {  	s4 =	sld [smem:$0x3FB2]  }
0x2a: {  	p0 =	seq.s32 s5, $0x0;
	s5 =	sld [smem:$0x3FB3]  }
0x2b: {  	s6 =	sld [smem:$0x3FB4]  }
0x2c: {  	s7 =	sld [smem:$0x3FB5]  }
0x2d: {  	s3 =	simm.s32 $0x108;
	s8 =	sld [smem:$0x3FB6]  }
0x2e: {  	s3 =	simm.s32 @!p0 $0x1082;
	s9 =	sld [smem:$0x3FB7]  }
0x2f: {  	lr =	sadd.s32 s0, s3;
	s0 =	sld [smem:$0x3FAE]  }
0x30: {  	s3 =	sld [smem:$0x3FB1]  }
0x31: {  	[smem:$0x3FBA] =	sst s10  }
0x32: {  	s10 =	sld [smem:$0x3FB8];
	_ =	sdelay $0x3  }
0x33: {  	p0 =	seq.s32 s10, $0x1;
	s10 =	sld [smem:$0x3FBA];
	_ =	sdelay $0x3  }
0x34: {  	[smem:$0x3FBA] =	sst s10  }
0x35: {  	s10 =	sld [smem:$0x3FB9];
	_ =	sdelay $0x3  }
0x36: {  	p1 =	seq.s32 s10, $0x1;
	s10 =	sld [smem:$0x3FBA];
	_ =	sdelay $0x3  }
0x37: {  	[smem:$0x3FBA] =	sst s10  }
0x38: {  	s10 =	sld [smem:$0x3FBB]  }
0x39: {  	_ = 	snop;
	(pc) =	sbr.ind lr, $3  }
0x3a: {  	_ = 	snop  }
0x3b: {  	_ = 	snop  }
0x3c: {  	p2 =	seq.s32 s10, $0x1;
	s10 =	sld [smem:$0x3FBA]  }
0x3d: {  	_ =	shalt  }
0x3e: {  	_ =	shalt  }
0x3f: {  	_ =	shalt  }
0x40: {  	_ =	shalt  }
0x41: {  	_ =	shalt  }
0x42: {  	_ =	shalt  }
0x43: {  	_ =	shalt  }
0x44: {  	_ =	shalt  }
0x45: {  	_ =	shalt  }
0x46: {  	_ =	shalt  }
0x47: {  	_ =	shalt  }
0x48: {  	_ =	shalt  }
0x49: {  	_ =	shalt  }
0x4a: {  	_ =	shalt  }
0x4b: {  	_ =	shalt  }
0x4c: {  	_ =	shalt  }
0x4d: {  	_ =	shalt  }
0x4e: {  	_ =	shalt  }
0x4f: {  	_ =	shalt  }
0x50: {  	_ =	shalt  }
0x51: {  	_ =	shalt  }
0x52: {  	_ =	shalt  }
0x53: {  	_ =	shalt  }
0x54: {  	_ =	shalt  }
0x55: {  	_ =	shalt  }
0x56: {  	_ =	shalt  }
0x57: {  	_ =	shalt  }
0x58: {  	_ =	shalt  }
0x59: {  	_ =	shalt  }
0x5a: {  	_ =	shalt  }
0x5b: {  	_ =	shalt  }
0x5c: {  	_ =	shalt  }
0x5d: {  	_ =	shalt  }
0x5e: {  	_ =	shalt  }
0x5f: {  	_ =	shalt  }
0x60: {  	_ =	shalt  }
0x61: {  	_ =	shalt  }
0x62: {  	_ =	shalt  }
0x63: {  	_ =	shalt  }
0x64: {  	_ =	shalt  }
0x65: {  	_ =	shalt  }
0x66: {  	_ =	shalt  }
0x67: {  	_ =	shalt  }
0x68: {  	_ =	shalt  }
0x69: {  	_ =	shalt  }
0x6a: {  	_ =	shalt  }
0x6b: {  	_ =	shalt  }
0x6c: {  	_ =	shalt  }
0x6d: {  	_ =	shalt  }
0x6e: {  	_ =	shalt  }
0x6f: {  	_ =	shalt  }
0x70: {  	_ =	shalt  }
0x71: {  	_ =	shalt  }
0x72: {  	_ =	shalt  }
0x73: {  	_ =	shalt  }
0x74: {  	_ =	shalt  }
0x75: {  	_ =	shalt  }
0x76: {  	_ =	shalt  }
0x77: {  	_ =	shalt  }
0x78: {  	_ =	shalt  }
0x79: {  	_ =	shalt  }
0x7a: {  	_ =	shalt  }
0x7b: {  	_ =	shalt  }
0x7c: {  	_ =	shalt  }
0x7d: {  	_ =	shalt  }
0x7e: {  	_ =	shalt  }
0x7f: {  	_ =	shalt  }
0x80: {  	_ =	shalt  }
0x81: {  	_ =	shalt  }
0x82: {  	_ =	shalt  }
0x83: {  	_ =	shalt  }
0x84: {  	_ =	shalt  }
0x85: {  	_ =	shalt  }
0x86: {  	_ =	shalt  }
0x87: {  	_ =	shalt  }
.Lfunc_end0:
.L_simem_size_0:
called_computation_lowered:
.L_overlay_start_0:
0x88: {  	s2 =	sld [smem:$0x3FD9]  }
0x89: {  	s3 =	sld [smem:$0x3FFE];
	_ =	sdelay $0x1  }
0x8a: {  	s1 =	srdreg.scid  }
0x8b: {  	s0 =	sand.u32 $0x1, s1  }
0x8c: {  	s16 =	sshll.u32 s0, $0xA;
	s2 =	sadd.s32 s3, s2  }
0x8d: {  	s2 =	sadd.s32 s2, s16  }
0x8e: {  	[smem:$0x3FC6] =	sst s2  }
0x8f: {  	_ = 	snop  }
0x90: {  	(tm) =	ssettm $0x1  }
0x91: {  	s17 =	sld [smem:$0x3FFB];
	_ =	sdelay $0x3  }
0x92: {  	_ =	strace s17  }
0x93: {  	s2 =	sld [smem:$0x3FFC];
	_ =	sdelay $0x3  }
0x94: {  	_ =	strace s2  }
0x95: {  	s2 =	sld [smem:$0x3FFD];
	_ =	sdelay $0x3  }
0x96: {  	_ =	strace s2  }
0x97: {  	_ =	strace $0x8FFFFFFF  }
0x98: {  	s18 =	sld [smem:$0x3FDB];
	_ =	sdelay $0x1  }
0x99: {  	s19 =	simm.s32 $_scs_section_size  }
0x9a: {  	s4 =	simm.s32 $_size__tile_overlayer_lowered;
	s5 =	simm.s32 $_tile_overlayer_lowered  }
0x9b: {  	s22 =	simm.s32 $0x1BFF;
	s21 =	sshll.u32 s5, $0x1;
	s2 =	sadd.s32 s19, s18  }
0x9c: {  	s6 =	simm.s32 $0x0;
	s20 =	sshll.u32 s4, $0x1;
	s4 =	sadd.s32 s21, s2  }
0x9d: {  	[timem:s6], [sflag:s22] =	dma.local [hbm:s4], s20  }
0x9e: {  	_ =	swait.ge [sflag:s22], s20  }
0x9f: {  	s3 =	ssub.s32 $0x0, s20;
	[sflag:s22] =	ssyncset.done $0x0  }
0xa0: {  	[sflag:s22] =	ssyncadd.s32 s3;
	_ =	sdelay $0x1  }
0xa1: {  	s23 =	simm.s32 $0x1B8B  }
0xa2: {  	_ =	swait.ge [sflag:s23], $0x1  }
0xa3: {  	[sflag:s23] =	ssyncset.done $0x0  }
0xa4: {  	s25 =	simm.s32 $0x1B8E;
	s24 =	sld [smem:$0x3FFE];
	[sflag:s23] =	ssyncadd.s32 $0xFFFFFFFF  }
0xa5: {  	s26 =	simm.s32 $execute0_lowered;
	[smem:$0x3FD2] =	sst s25  }
0xa6: {  	s4 =	sshll.u32 s26, $0x1;
	_ =	strace $0x80000046;
	[dreg:$0x1] =	wrdreg $0xFFFFFFFF  }
0xa7: {  	s28 =	simm.s32 $_size_execute0_lowered;
	s2 =	sadd.s32 s2, s4;
	[dreg:$0x0] =	wrdreg $0x0  }
0xa8: {  	s4 =	sshll.u32 s28, $0x1;
	[dreg:$0x2] =	wrdreg s2  }
0xa9: {  	[dreg:$0x3] =	wrdreg s4  }
0xaa: {  	[dreg:$0x4] =	wrdreg $0xC0  }
0xab: {  	_ =	task [dreg:s6], $0x5FFFF  }
0xac: {  	[dreg:$0x1] =	wrdreg $0xFFFFFFFF  }
0xad: {  	[dreg:$0x0] =	wrdreg $0x60  }
0xae: {  	[dreg:$0x2] =	wrdreg s24  }
0xaf: {  	[dreg:$0x3] =	wrdreg $0x9  }
0xb0: {  	_ =	task.clear_ibuf [dreg:s6], $0x4FFFF;
	_ =	strace $0x90000046  }
0xb1: {  	s29 =	simm.s32 $0x9;
	_ =	strace $0x80000048  }
0xb2: {  	_ =	swait.ge [sflag:s29], $0x1  }
0xb3: {  	[sflag:s29] =	ssyncadd.s32 $0xFFFFFFFF  }
0xb4: {  	_ =	strace $0x90000048  }
0xb5: {  	_ =	sfence  }
0xb6: {  	s30 =	sld [smem:$0x0];
	_ =	sdelay $0x2  }
0xb7: {  	s31 =	sshll.u32 s1, $0xD;
	s1 =	sshrl.u32 s1, $0x2  }
0xb8: {  	s3 =	sand.u32 $0x4000, s31;
	s1 =	sadd.s32 s1, s30  }
0xb9: {  	s0 =	sor.u32 s3, s0;
	s1 =	sshll.u32 s1, $0x11  }
0xba: {  	s0 =	sor.u32 s1, s0  }
0xbb: {  	s0 =	sadd.s32 $0x8F2B, s0  }
0xbc: {  	[sflag:s0] =	ssyncadd.remote.s32 $0x1  }
0xbd: {  	_ =	sfence.sel $0xFFFF  }
0xbe: {  	[dreg:$0x0] =	wrdreg $0xFFFFFFFF;
	(pc) =	sbr.abs _section_cstart, $3  }
0xbf: {  	[dreg:$0x1] =	wrdreg $0xFFFFFFFF  }
0xc0: {  	_ =	task.clear_ibuf [dreg:s6], $0x2FFFF;
	_ =	strace $0x9FFFFFFF  }
0xc1: {  	(tm) =	ssettm $0x7FFFFFFF  }
tec
execute0_lowered:
.L_overlay_start_1:
0x0: {  	(tag) =	ssettag $0x1  }
0x1: {  	v0 =	vimm.s32 $0x0;
	v1 =	vimm.s32 $0xB80;
	vm0 =	vcmask $0x300  }
0x2: {  	vm1 =	vcmask $0x704;
	v2 =	vimm.s32 $0x1B80;
	v1 =	vsel vm0, $0x0, v1  }
0x3: {  	vm2 =	vcmask $0xB08;
	v2 =	vsel vm0, $0x1000, v2;
	v1 =	vsel vm1, $0x80, v1  }
0x4: {  	vm4 =	vcmask $0xF0C;
	v2 =	vsel vm1, $0x1080, v2;
	v1 =	vsel vm2, $0x100, v1  }
0x5: {  	vm5 =	vcmask $0x1310;
	v2 =	vsel vm2, $0x1100, v2;
	v1 =	vsel vm4, $0x180, v1  }
0x6: {  	vm6 =	vcmask $0x1714;
	v2 =	vsel vm4, $0x1180, v2;
	v1 =	vsel vm5, $0x200, v1  }
0x7: {  	vm7 =	vcmask $0x1B18;
	v2 =	vsel vm5, $0x1200, v2;
	v1 =	vsel vm6, $0x280, v1  }
0x8: {  	s3 =	rddreg [dreg:$0x0];
	vm8 =	vcmask $0x1F1C;
	v2 =	vsel vm6, $0x1280, v2;
	v1 =	vsel vm7, $0x300, v1  }
0x9: {  	s0 =	rddreg [dreg:$0x1];
	s2 =	simm.s32 $0x0;
	s4 =	srdreg.scid;
	vm9 =	vcmask $0x2320;
	v2 =	vsel vm7, $0x1300, v2;
	v1 =	vsel vm8, $0x380, v1  }
0xa: {  	s1 =	stileid.u32;
	vm10 =	vcmask $0x2724;
	s8 =	simm.s32 $0x1;
	s9 =	simm.s32 $0x4000;
	v2 =	vsel vm8, $0x1380, v2;
	v1 =	vsel vm9, $0x800, v1  }
0xb: {  	vm11 =	vcmask $0x2B28;
	s10 =	simm.s32 $0x5000;
	s11 =	simm.s32 $0x6000;
	s12 =	simm.s32 $0x2;
	v2 =	vsel vm9, $0x1800, v2;
	v1 =	vsel vm10, $0x880, v1  }
0xc: {  	vm12 =	vcmask $0x2F2C;
	[smem:$0x7FF] =	sst s2;
	s4 =	sand.u32 $0x1, s4;
	s5 =	sshll.u32 s1, $0x1;
	v2 =	vsel vm10, $0x1880, v2;
	v1 =	vsel vm11, $0x900, v1  }
0xd: {  	vm13 =	vcmask $0x3330;
	s13 =	simm.s32 $0x0;
	_ =	strace $0x80000047;
	s5 =	sor.u32 s4, s5;
	v2 =	vsel vm11, $0x1900, v2;
	v1 =	vsel vm12, $0x980, v1  }
0xe: {  	s4 =	ssub.s32 $0x2, s4;
	s6 =	sshll.u32 s5, $0xA;
	s5 =	sshll.u32 s5, $0x4;
	v2 =	vsel vm12, $0x1980, v2;
	v3 =	vsel vm13, $0xA00, v1;
	v1 =	vlaneseq.u32  }
0xf: {  	vm14 =	vcmask $0x3734;
	s31 =	sshrl.u32 s4, $0x1;
	s6 =	sadd.s32 s6, s3;
	s5 =	sadd.s32 s5, s3;
	v2 =	vsel vm13, $0x1A00, v2;
	v1 =	vmul.u32 $0x80, v1  }
0x10: {  	vm15 =	vcmask $0x3B38;
	s7 =	ssub.s32 s4, s31;
	s3 =	sadd.s32 $0x200, s6;
	s4 =	sadd.s32 $0x8200, s6;
	v3 =	vsel vm14, $0xA80, v3;
	v4 =	vsel vm14, $0x1A80, v2  }
0x11: {  	s5 =	sadd.s32 $0x10200, s5;
	s6 =	smax.u32 s7, $0x1;
	s7 =	simm.s32 $0x2000;
	v2 =	vsel vm15, $0xB00, v3;
	v3 =	vsel vm15, $0x1B00, v4;
	v4 =	vor.u32 $0x800, v1  }
.LBB2_1:
0x12: {  	[tilespmem:s2], [sflag:$0x1] =	stream.linear.gather [hbm4b:s3+s2], $0x2000, $0x38;
	[tilespmem:$0x6080] =	vst v63  }
0x13: {  	s14 =	simm.s32 $0x0;
	s15 =	simm.s32 $0x200  }
0x14: {  	[tilespmem:s7], [sflag:$0x1] =	stream.linear.gather [hbm4b:s4+s2], $0x2000, $0x38;
	[tilespmem:$0x6080] =	vst v63  }
.LBB2_2:
0x15: {  	p0 =	sne.s32 s15, $0x3E00;
	[tilespmem:s14+$0x5030] =	vst v0  }
0x16: {  	[tilespmem:s14+$0x4000] =	vst v0  }
0x17: {  	[tilespmem:s14+$0x5000] =	vst v0  }
.Ltmp0:
0x18: {  	[tilespmem:s14+$0x4010] =	vst v0;
	(pc) =	sbr.rel @p0 .LBB2_2-.Ltmp0, $4  }
0x19: {  	[tilespmem:s14+$0x5010] =	vst v0  }
0x1a: {  	[tilespmem:s14+$0x4020] =	vst v0  }
0x1b: {  	[tilespmem:s14+$0x5020] =	vst v0  }
0x1c: {  	[tilespmem:s14+$0x4030] =	vst v0;
	s14 =	sshra.s32 s15, $0x2;
	s15 =	sadd.s32 $0x200, s15  }
0x1d: {  	[tilespmem:s14+$0x5030] =	vst v0  }
0x1e: {  	[tilespmem:s14+$0x4000] =	vst v0  }
0x1f: {  	[tilespmem:s14+$0x5000] =	vst v0  }
0x20: {  	[tilespmem:s14+$0x4010] =	vst v0  }
0x21: {  	[tilespmem:s14+$0x5010] =	vst v0  }
0x22: {  	[tilespmem:s14+$0x4020] =	vst v0  }
0x23: {  	[tilespmem:s14+$0x5020] =	vst v0  }
0x24: {  	[tilespmem:s14+$0x4030] =	vst v0  }
0x25: {  	_ =	swait.ge [sflag:s8], $0x2000  }
0x26: {  	[sflag:s8] =	ssyncset.done $0x0  }
0x27: {  	[sflag:s8] =	ssyncadd.s32 $0xFFFFE000  }
0x28: {  	v8 =	vimm.s32 $0xFFFFFFFF;
	v5 =	vimm.s32 $0x0;
	_ =	swait.ge [sflag:s8], $0x2000  }
0x29: {  	v6 =	vimm.s32 $0x0;
	v10 =	vimm.s32 $0xFFFFFFFF;
	v7 =	vimm.s32 $0x0;
	[sflag:s8] =	ssyncset.done $0x0  }
0x2a: {  	s14 =	simm.s32 $0x0;
	v11 =	vimm.s32 $0xFFFFFFFF;
	v9 =	vimm.s32 $0x0;
	v12 =	vimm.s32 $0xFFFFFFFF;
	s15 =	simm.s32 $0x0;
	[sflag:s8] =	ssyncadd.s32 $0xFFFFE000  }
.LBB2_4:
0x2b: {  	v13 =	vmov s15  }
0x2c: {  	v14 =	vshll.u32 v13, $0x3  }
0x2d: {  	v13 =	vand.u32 $0x7F, v13;
	v14 =	vand.u32 $0x400, v14  }
0x2e: {  	v13 =	vor.u32 v13, v14  }
0x2f: {  	v14 =	vor.u32 v2, v13;
	_ =	sdelay $0x4  }
0x30: {  	v15 =	vld.idx.msk [tilespmem:v14+s14+$0x0], $0xffff;
	_ =	sdelay $0x4  }
0x31: {  	v16 =	vadd.s32 v1, v15;
	_ =	sdelay $0x4  }
0x32: {  	v17 =	vld.idx.msk [tilespmem:v16+s9+$0x0], $0xffff;
	_ =	sdelay $0x2  }
0x33: {  	v9 =	vadd.s32 $0x1, v9;
	vm0 =	veq.s32 v15, v12;
	v12 =	vor.u32 v3, v13  }
0x34: {  	v9 =	vnsel vm0, $0x1, v9  }
0x35: {  	vm0 =	vgt.s32 v17, v9  }
0x36: {  	v13 =	vsel vm0, v17, v9  }
0x37: {  	[tilespmem:v16+s9+$0x0] =	vst.idx.msk $0xffff, v13  }
0x38: {  	v13 =	vld.idx.msk [tilespmem:v12+s14+$0x0], $0xffff;
	_ =	sdelay $0x4  }
0x39: {  	v62 =	vadd.s32 v4, v13;
	_ =	sdelay $0x4  }
0x3a: {  	v63 =	vld.idx.msk [tilespmem:v62+s9+$0x0], $0xffff;
	_ =	sdelay $0x2  }
0x3b: {  	v7 =	vadd.s32 $0x1, v7;
	vm13 =	veq.s32 v13, v11  }
0x3c: {  	v7 =	vnsel vm13, $0x1, v7  }
0x3d: {  	vm0 =	vgt.s32 v63, v7  }
0x3e: {  	v11 =	vsel vm0, v63, v7  }
0x3f: {  	[tilespmem:v62+s9+$0x0] =	vst.idx.msk $0xffff, v11  }
0x40: {  	v11 =	vld.idx.msk [tilespmem:v14+s7+$0x0], $0xffff;
	_ =	sdelay $0x4  }
0x41: {  	v14 =	vadd.s32 v1, v11;
	_ =	sdelay $0x4  }
0x42: {  	v16 =	vld.idx.msk [tilespmem:v14+s10+$0x0], $0xffff;
	_ =	sdelay $0x2  }
0x43: {  	v6 =	vadd.s32 $0x1, v6;
	vm14 =	veq.s32 v11, v10  }
0x44: {  	v6 =	vnsel vm14, $0x1, v6  }
0x45: {  	vm0 =	vgt.s32 v16, v6  }
0x46: {  	v10 =	vsel vm0, v16, v6  }
0x47: {  	[tilespmem:v14+s10+$0x0] =	vst.idx.msk $0xffff, v10  }
0x48: {  	v10 =	vld.idx.msk [tilespmem:v12+s7+$0x0], $0xffff;
	_ =	sdelay $0x4  }
0x49: {  	v12 =	vadd.s32 v4, v10;
	_ =	sdelay $0x4  }
0x4a: {  	v14 =	vld.idx.msk [tilespmem:v12+s10+$0x0], $0xffff;
	_ =	sdelay $0x2  }
0x4b: {  	v5 =	vadd.s32 $0x1, v5;
	vm15 =	veq.s32 v10, v8  }
0x4c: {  	p0 =	sne.s32 s15, $0xC7;
	v5 =	vnsel vm15, $0x1, v5  }
.Ltmp1:
0x4d: {  	vm0 =	vgt.s32 v14, v5;
	(pc) =	sbr.rel @p0 .LBB2_4-.Ltmp1, $2  }
0x4e: {  	v8 =	vsel vm0, v14, v5;
	_ =	sdelay $0x2  }
0x4f: {  	s15 =	sadd.s32 $0x1, s15;
	[tilespmem:v12+s10+$0x0] =	vst.idx.msk $0xffff, v8;
	v12 =	vmovc v15;
	v8 =	vmov v10;
	v10 =	vmov v11;
	v11 =	vmov v13  }
0x50: {  	s14 =	simm.s32 $0x0  }
0x51: {  	v5 =	vld [tilespmem:s14+$0x4000]  }
0x52: {  	v6 =	vld [tilespmem:s14+$0x5000]  }
0x53: {  	v7 =	vld [tilespmem:s14+$0x4010]  }
0x54: {  	v8 =	vld [tilespmem:s14+$0x5010]  }
0x55: {  	v9 =	vld [tilespmem:s14+$0x4020]  }
0x56: {  	v10 =	vld [tilespmem:s14+$0x5020]  }
0x57: {  	v11 =	vld [tilespmem:s14+$0x5030];
	v5 =	vsub.s32 v5, v6  }
0x58: {  	s15 =	simm.s32 $0x80;
	v6 =	vld [tilespmem:s14+$0x4030];
	v5 =	vcvt.s32.f32 v5  }
0x59: {  	v12 =	vld [tilespmem:s15+$0x4000];
	v7 =	vsub.s32 v7, v8  }
0x5a: {  	v13 =	vld [tilespmem:s15+$0x5000];
	v7 =	vcvt.s32.f32 v7;
	v5 =	vmul.f32 v5, v5  }
0x5b: {  	v14 =	vld [tilespmem:s15+$0x4010];
	v8 =	vimm.f32 $0.0e+00;
	v9 =	vsub.s32 v9, v10  }
0x5c: {  	v15 =	vld [tilespmem:s15+$0x5010];
	v9 =	vcvt.s32.f32 v9;
	v7 =	vmul.f32 v7, v7;
	v10 =	vadd.f32 v5, v8  }
0x5d: {  	v5 =	vld [tilespmem:s15+$0x4020];
	v6 =	vsub.s32 v6, v11  }
0x5e: {  	v8 =	vld [tilespmem:s15+$0x5020];
	v11 =	vmul.f32 v9, v9;
	v16 =	vcvt.s32.f32 v6;
	v7 =	vadd.f32 v7, v10  }
0x5f: {  	v9 =	vsub.s32 v12, v13;
	v6 =	vld [tilespmem:s15+$0x4030]  }
0x60: {  	s14 =	simm.s32 $0x100;
	v10 =	vcvt.s32.f32 v9;
	v9 =	vld [tilespmem:s15+$0x5030];
	v12 =	vmul.f32 v16, v16;
	v11 =	vadd.f32 v11, v7  }
0x61: {  	v13 =	vsub.s32 v14, v15;
	s15 =	simm.s32 $0x600;
	v7 =	vld [tilespmem:s14+$0x4000]  }
.LBB2_6:
0x62: {  	p0 =	sne.s32 s15, $0x3E00;
	v14 =	vld [tilespmem:s14+$0x5000];
	v10 =	vmul.f32 v10, v10;
	v13 =	vcvt.s32.f32 v13;
	v11 =	vadd.f32 v12, v11  }
0x63: {  	v15 =	vld [tilespmem:s14+$0x4010];
	v5 =	vsub.s32 v5, v8  }
0x64: {  	v16 =	vld [tilespmem:s14+$0x5010];
	v10 =	vadd.f32 v10, v11;
	v11 =	vmul.f32 v13, v13;
	v12 =	vcvt.s32.f32 v5  }
.Ltmp2:
0x65: {  	v5 =	vld [tilespmem:s14+$0x4020];
	v6 =	vsub.s32 v6, v9;
	(pc) =	sbr.rel @p0 .LBB2_6-.Ltmp2, $4  }
0x66: {  	v8 =	vld [tilespmem:s14+$0x5020];
	v11 =	vadd.f32 v11, v10;
	v12 =	vmul.f32 v12, v12;
	v13 =	vcvt.s32.f32 v6  }
0x67: {  	v7 =	vsub.s32 v7, v14;
	v6 =	vld [tilespmem:s14+$0x4030]  }
0x68: {  	v10 =	vcvt.s32.f32 v7;
	v9 =	vld [tilespmem:s14+$0x5030];
	s14 =	sshra.s32 s15, $0x2;
	v11 =	vadd.f32 v12, v11;
	v12 =	vmul.f32 v13, v13  }
0x69: {  	s15 =	sadd.s32 $0x200, s15;
	v7 =	vld [tilespmem:s14+$0x4000];
	v13 =	vsub.s32 v15, v16  }
0x6a: {  	v14 =	vld [tilespmem:s14+$0x5000];
	v10 =	vmul.f32 v10, v10;
	v13 =	vcvt.s32.f32 v13;
	v11 =	vadd.f32 v12, v11  }
0x6b: {  	v56 =	vld [tilespmem:s14+$0x4010];
	v5 =	vsub.s32 v5, v8  }
0x6c: {  	v57 =	vld [tilespmem:s14+$0x5010];
	v10 =	vadd.f32 v10, v11;
	v58 =	vmul.f32 v13, v13;
	v5 =	vcvt.s32.f32 v5  }
0x6d: {  	v59 =	vld [tilespmem:s14+$0x4020];
	v6 =	vsub.s32 v6, v9  }
0x6e: {  	v60 =	vld [tilespmem:s14+$0x5020];
	v10 =	vadd.f32 v58, v10;
	v5 =	vmul.f32 v5, v5;
	v6 =	vcvt.s32.f32 v6  }
0x6f: {  	v61 =	vld [tilespmem:s14+$0x4030];
	v7 =	vsub.s32 v7, v14  }
0x70: {  	v62 =	vld [tilespmem:s14+$0x5030];
	v7 =	vcvt.s32.f32 v7;
	v5 =	vadd.f32 v5, v10;
	v6 =	vmul.f32 v6, v6  }
0x71: {  	v8 =	vsub.s32 v56, v57  }
0x72: {  	v8 =	vcvt.s32.f32 v8;
	v7 =	vmul.f32 v7, v7;
	v5 =	vadd.f32 v6, v5  }
0x73: {  	v6 =	vsub.s32 v59, v60  }
0x74: {  	v6 =	vcvt.s32.f32 v6;
	v5 =	vadd.f32 v7, v5;
	v7 =	vmul.f32 v8, v8  }
0x75: {  	v63 =	vsub.s32 v61, v62  }
0x76: {  	v6 =	vmul.f32 v6, v6;
	v5 =	vadd.f32 v7, v5;
	v7 =	vcvt.s32.f32 v63;
	_ =	sdelay $0x1  }
0x77: {  	v5 =	vadd.f32 v6, v5;
	v6 =	vmul.f32 v7, v7;
	_ =	sdelay $0x1  }
0x78: {  	s13 =	sadd.s32 $0x1, s13;
	v5 =	vadd.f32 v6, v5  }
0x79: {  	p0 =	sne.s32 s13, s6  }
.Ltmp3:
0x7a: {  	[tilespmem:$0x6000] =	vst v5;
	(pc) =	sbr.rel @p0 .LBB2_1-.Ltmp3, $4  }
0x7b: {  	[hbm4b:s5+s2] =	stream.linear.scatter [tilespmem:s11], [sflag:$0x2], $0x80, $0x38;
	[tilespmem:$0x6080] =	vst v63  }
0x7c: {  	_ =	swait.ge [sflag:s12], $0x80  }
0x7d: {  	[sflag:s12] =	ssyncset.done $0x0  }
0x7e: {  	[sflag:s12] =	ssyncadd.s32 $0xFFFFFF80  }
0x7f: {  	_ =	sfence.sel $0x180000  }
0x80: {  	[bflag:$0x0] =	sbarrier.arrive $0xFFFF  }
0x81: {  	p0 =	sne.s32 s1, $0x0;
	_ =	strace $0x90000047  }
0x82: {  	s0 =	sadd.s32 @!p0 $0x100000, s0;
	[bflag:$0x2] =	sbarrier.arrive $0xFFFF  }
0x83: {  	[sflag:s0] =	ssyncadd.tile.s32 @!p0 $0x1;
	_ =	shalt  }
.Lfunc_end2:
_tile_overlayer_lowered:
.L_overlay_start_2:
0x84: {  	(tag) =	ssettag $0x2  }
0x85: {  	s0 =	rddreg [dreg:$0x0];
	s2 =	stileid.u32  }
0x86: {  	s1 =	rddreg [dreg:$0x1];
	p0 =	sne.s32 s2, $0x0  }
0x87: {  	s3 =	rddreg [dreg:$0x2];
	[bflag:$0x3] =	sbarrier.arrive $0xFFFF;
	s2 =	simm.s32 @!p0 $0x1C02  }
0x88: {  	[timem:s3], [sflag:s2] =	dma.local @!p0 [hbm:s0], s1  }
0x89: {  	s0 =	simm.s32 @!p0 $0x2  }
0x8a: {  	_ =	swait.ge @!p0 [sflag:s0], s1  }
0x8b: {  	s1 =	ssub.s32 @!p0 $0x0, s1;
	[sflag:s0] =	ssyncset.done @!p0 $0x0  }
0x8c: {  	[sflag:s0] =	ssyncadd.s32 @!p0 s1  }
0x8d: {  	[bflag:$0x3] =	sbarrier.arrive $0xFFFF  }
0x8e: {  	_ =	shalt  }

</sc_bundles>
